<compile_context>
chip_gen: v7x
topology: tpu7x:2x2x1
jax: 0.10.2.dev20260603
libtpu: 0.0.44.dev20260713+nightly
codegen_flags: <defaults>
</compile_context>

<pallas_src>
import functools

import jax
import jax.numpy as jnp
from jax import lax
from jax.experimental import pallas as pl
from jax.experimental.pallas import tpu as pltpu
from jax.experimental.pallas import tpu_sc as plsc

N_EXP = 64
TOPK = 8
ATTR1_MULT = 8


@functools.partial(
    pl.kernel,
    out_type=jax.ShapeDtypeStruct((N_EXP,), jnp.float32),
    mesh=plsc.ScalarSubcoreMesh(axis_name="c", num_cores=1),
    scratch_types=[
        pltpu.SMEM((2,), jnp.int32),
        pltpu.SMEM((N_EXP,), jnp.float32),
        pltpu.SemaphoreType.DMA,
    ],
)
def _gate_sc(attrs_hbm, out_hbm, attrs_s, out_s, sem):
    cp = pltpu.make_async_copy(attrs_hbm, attrs_s, sem)
    cp.start()
    for i in range(N_EXP):
        out_s[i] = 0.0
    cp.wait()
    combined = lax.rem(attrs_s[0] * ATTR1_MULT + attrs_s[1], N_EXP)
    for i in range(TOPK):
        out_s[lax.rem(combined + i, N_EXP)] = 1.0 / TOPK
    pltpu.sync_copy(out_s, out_hbm)


def kernel(x, attrs):
    combine_weights = _gate_sc(attrs.astype(jnp.int32))
    return combine_weights, jnp.zeros((), jnp.float32)

# --- scband reference (transcript-rebuilt; emitter-appended) ---
"""Pipeline reference for scband-mod-top-kgate-83167746719937 (READ-ONLY COPY).

The authoritative reference and input builder live on the scoring server;
editing this copy changes nothing except your own understanding.
"""

import jax, jax.numpy as jnp
import numpy as np

N_EXPERTS = 64
K = 8
N_ATTRIBUTES = [8, 8]


def setup_inputs(seed: int = 0) -> dict:
    key = jax.random.key(seed)
    k1, k2 = jax.random.split(key)
    x = jax.random.normal(k1, (8192, 4096), dtype=jnp.float32)
    attrs = jax.random.randint(k2, (2,), 0, 8, dtype=jnp.int64 if jax.config.jax_enable_x64 else jnp.int32)
    return {"x": x, "attrs": attrs}


def reference(x, attrs):
    n_experts = N_EXPERTS
    k = K
    n_attributes = N_ATTRIBUTES
    if k >= n_experts:
        combine_weights = jnp.full((n_experts,), 1.0 / n_experts, dtype=jnp.float32)
        return (combine_weights, jnp.array(0.0, dtype=jnp.float32))
    combined_idx = 0
    for i in range(len(n_attributes)):
        multiplier = 1
        for j in range(i + 1, len(n_attributes)):
            multiplier *= n_attributes[j]
        combined_idx = combined_idx + attrs[i] * multiplier
    pdt_attr = 1
    for n_attr in n_attributes:
        pdt_attr *= n_attr
    step = int(n_experts // pdt_attr)
    if step <= 0:
        step = 1
    combined_idx = combined_idx * step
    combine_weights = jnp.zeros((n_experts,), dtype=jnp.float32)
    for i in range(k):
        expert_idx = (combined_idx + i) % n_experts
        combine_weights = combine_weights.at[expert_idx].set(1.0 / float(k))
    l_aux = jnp.array(0.0, dtype=jnp.float32)
    return (combine_weights, l_aux)

if __name__ == "__main__":
    import jax
    _d = setup_inputs()
    print(jax.jit(kernel)(*tuple(_d.values())))

</pallas_src>

<mosaic_0001>
#map = affine_map<(d0) -> (0)>
module attributes {stable_mosaic.version = 14 : i64} {
  func.func @_gate_sc(%arg0: i32, %arg1: memref<2xi32, #tpu.memory_space<hbm>>, %arg2: memref<64xf32, #tpu.memory_space<hbm>>, %arg3: memref<2xi32, #tpu.memory_space<smem>>, %arg4: memref<64xf32, #tpu.memory_space<smem>>, %arg5: memref<!tpu.dma_semaphore, #tpu.memory_space<semaphore_mem>>) attributes {dimension_semantics = [#tpu.dimension_semantics<core_parallel>], iteration_bounds = array<i64: 1>, scalar_prefetch = 0 : i64, scratch_operands = 3 : i64, tpu.core_type = #tpu.core_type<sc_scalar_subcore>, window_params = [{transform_indices = #map}, {transform_indices = #map}]} {
    tpu.enqueue_dma source(%arg1 : memref<2xi32, #tpu.memory_space<hbm>>) target(%arg3 : memref<2xi32, #tpu.memory_space<smem>>) target_semaphore(%arg5 : memref<!tpu.dma_semaphore, #tpu.memory_space<semaphore_mem>>)
    %swap3A = arith.constant 0.000000e+00 : f32
    %swap3A_0 = arith.constant 0 : i32
    %swap3A_1 = arith.index_cast %swap3A_0 : i32 to index
    %swap3A_2 = memref.load %arg4[%swap3A_1] : memref<64xf32, #tpu.memory_space<smem>>
    memref.store %swap3A, %arg4[%swap3A_1] : memref<64xf32, #tpu.memory_space<smem>>
    %swap3A_3 = arith.constant 0.000000e+00 : f32
    %swap3A_4 = arith.constant 1 : i32
    %swap3A_5 = arith.index_cast %swap3A_4 : i32 to index
    %swap3A_6 = memref.load %arg4[%swap3A_5] : memref<64xf32, #tpu.memory_space<smem>>
    memref.store %swap3A_3, %arg4[%swap3A_5] : memref<64xf32, #tpu.memory_space<smem>>
    %swap3A_7 = arith.constant 0.000000e+00 : f32
    %swap3A_8 = arith.constant 2 : i32
    %swap3A_9 = arith.index_cast %swap3A_8 : i32 to index
    %swap3A_10 = memref.load %arg4[%swap3A_9] : memref<64xf32, #tpu.memory_space<smem>>
    memref.store %swap3A_7, %arg4[%swap3A_9] : memref<64xf32, #tpu.memory_space<smem>>
    %swap3A_11 = arith.constant 0.000000e+00 : f32
    %swap3A_12 = arith.constant 3 : i32
    %swap3A_13 = arith.index_cast %swap3A_12 : i32 to index
    %swap3A_14 = memref.load %arg4[%swap3A_13] : memref<64xf32, #tpu.memory_space<smem>>
    memref.store %swap3A_11, %arg4[%swap3A_13] : memref<64xf32, #tpu.memory_space<smem>>
    %swap3A_15 = arith.constant 0.000000e+00 : f32
    %swap3A_16 = arith.constant 4 : i32
    %swap3A_17 = arith.index_cast %swap3A_16 : i32 to index
    %swap3A_18 = memref.load %arg4[%swap3A_17] : memref<64xf32, #tpu.memory_space<smem>>
    memref.store %swap3A_15, %arg4[%swap3A_17] : memref<64xf32, #tpu.memory_space<smem>>
    %swap3A_19 = arith.constant 0.000000e+00 : f32
    %swap3A_20 = arith.constant 5 : i32
    %swap3A_21 = arith.index_cast %swap3A_20 : i32 to index
    %swap3A_22 = memref.load %arg4[%swap3A_21] : memref<64xf32, #tpu.memory_space<smem>>
    memref.store %swap3A_19, %arg4[%swap3A_21] : memref<64xf32, #tpu.memory_space<smem>>
    %swap3A_23 = arith.constant 0.000000e+00 : f32
    %swap3A_24 = arith.constant 6 : i32
    %swap3A_25 = arith.index_cast %swap3A_24 : i32 to index
    %swap3A_26 = memref.load %arg4[%swap3A_25] : memref<64xf32, #tpu.memory_space<smem>>
    memref.store %swap3A_23, %arg4[%swap3A_25] : memref<64xf32, #tpu.memory_space<smem>>
    %swap3A_27 = arith.constant 0.000000e+00 : f32
    %swap3A_28 = arith.constant 7 : i32
    %swap3A_29 = arith.index_cast %swap3A_28 : i32 to index
    %swap3A_30 = memref.load %arg4[%swap3A_29] : memref<64xf32, #tpu.memory_space<smem>>
    memref.store %swap3A_27, %arg4[%swap3A_29] : memref<64xf32, #tpu.memory_space<smem>>
    %swap3A_31 = arith.constant 0.000000e+00 : f32
    %swap3A_32 = arith.constant 8 : i32
    %swap3A_33 = arith.index_cast %swap3A_32 : i32 to index
    %swap3A_34 = memref.load %arg4[%swap3A_33] : memref<64xf32, #tpu.memory_space<smem>>
    memref.store %swap3A_31, %arg4[%swap3A_33] : memref<64xf32, #tpu.memory_space<smem>>
    %swap3A_35 = arith.constant 0.000000e+00 : f32
    %swap3A_36 = arith.constant 9 : i32
    %swap3A_37 = arith.index_cast %swap3A_36 : i32 to index
    %swap3A_38 = memref.load %arg4[%swap3A_37] : memref<64xf32, #tpu.memory_space<smem>>
    memref.store %swap3A_35, %arg4[%swap3A_37] : memref<64xf32, #tpu.memory_space<smem>>
    %swap3A_39 = arith.constant 0.000000e+00 : f32
    %swap3A_40 = arith.constant 10 : i32
    %swap3A_41 = arith.index_cast %swap3A_40 : i32 to index
    %swap3A_42 = memref.load %arg4[%swap3A_41] : memref<64xf32, #tpu.memory_space<smem>>
    memref.store %swap3A_39, %arg4[%swap3A_41] : memref<64xf32, #tpu.memory_space<smem>>
    %swap3A_43 = arith.constant 0.000000e+00 : f32
    %swap3A_44 = arith.constant 11 : i32
    %swap3A_45 = arith.index_cast %swap3A_44 : i32 to index
    %swap3A_46 = memref.load %arg4[%swap3A_45] : memref<64xf32, #tpu.memory_space<smem>>
    memref.store %swap3A_43, %arg4[%swap3A_45] : memref<64xf32, #tpu.memory_space<smem>>
    %swap3A_47 = arith.constant 0.000000e+00 : f32
    %swap3A_48 = arith.constant 12 : i32
    %swap3A_49 = arith.index_cast %swap3A_48 : i32 to index
    %swap3A_50 = memref.load %arg4[%swap3A_49] : memref<64xf32, #tpu.memory_space<smem>>
    memref.store %swap3A_47, %arg4[%swap3A_49] : memref<64xf32, #tpu.memory_space<smem>>
    %swap3A_51 = arith.constant 0.000000e+00 : f32
    %swap3A_52 = arith.constant 13 : i32
    %swap3A_53 = arith.index_cast %swap3A_52 : i32 to index
    %swap3A_54 = memref.load %arg4[%swap3A_53] : memref<64xf32, #tpu.memory_space<smem>>
    memref.store %swap3A_51, %arg4[%swap3A_53] : memref<64xf32, #tpu.memory_space<smem>>
    %swap3A_55 = arith.constant 0.000000e+00 : f32
    %swap3A_56 = arith.constant 14 : i32
    %swap3A_57 = arith.index_cast %swap3A_56 : i32 to index
    %swap3A_58 = memref.load %arg4[%swap3A_57] : memref<64xf32, #tpu.memory_space<smem>>
    memref.store %swap3A_55, %arg4[%swap3A_57] : memref<64xf32, #tpu.memory_space<smem>>
    %swap3A_59 = arith.constant 0.000000e+00 : f32
    %swap3A_60 = arith.constant 15 : i32
    %swap3A_61 = arith.index_cast %swap3A_60 : i32 to index
    %swap3A_62 = memref.load %arg4[%swap3A_61] : memref<64xf32, #tpu.memory_space<smem>>
    memref.store %swap3A_59, %arg4[%swap3A_61] : memref<64xf32, #tpu.memory_space<smem>>
    %swap3A_63 = arith.constant 0.000000e+00 : f32
    %swap3A_64 = arith.constant 16 : i32
    %swap3A_65 = arith.index_cast %swap3A_64 : i32 to index
    %swap3A_66 = memref.load %arg4[%swap3A_65] : memref<64xf32, #tpu.memory_space<smem>>
    memref.store %swap3A_63, %arg4[%swap3A_65] : memref<64xf32, #tpu.memory_space<smem>>
    %swap3A_67 = arith.constant 0.000000e+00 : f32
    %swap3A_68 = arith.constant 17 : i32
    %swap3A_69 = arith.index_cast %swap3A_68 : i32 to index
    %swap3A_70 = memref.load %arg4[%swap3A_69] : memref<64xf32, #tpu.memory_space<smem>>
    memref.store %swap3A_67, %arg4[%swap3A_69] : memref<64xf32, #tpu.memory_space<smem>>
    %swap3A_71 = arith.constant 0.000000e+00 : f32
    %swap3A_72 = arith.constant 18 : i32
    %swap3A_73 = arith.index_cast %swap3A_72 : i32 to index
    %swap3A_74 = memref.load %arg4[%swap3A_73] : memref<64xf32, #tpu.memory_space<smem>>
    memref.store %swap3A_71, %arg4[%swap3A_73] : memref<64xf32, #tpu.memory_space<smem>>
    %swap3A_75 = arith.constant 0.000000e+00 : f32
    %swap3A_76 = arith.constant 19 : i32
    %swap3A_77 = arith.index_cast %swap3A_76 : i32 to index
    %swap3A_78 = memref.load %arg4[%swap3A_77] : memref<64xf32, #tpu.memory_space<smem>>
    memref.store %swap3A_75, %arg4[%swap3A_77] : memref<64xf32, #tpu.memory_space<smem>>
    %swap3A_79 = arith.constant 0.000000e+00 : f32
    %swap3A_80 = arith.constant 20 : i32
    %swap3A_81 = arith.index_cast %swap3A_80 : i32 to index
    %swap3A_82 = memref.load %arg4[%swap3A_81] : memref<64xf32, #tpu.memory_space<smem>>
    memref.store %swap3A_79, %arg4[%swap3A_81] : memref<64xf32, #tpu.memory_space<smem>>
    %swap3A_83 = arith.constant 0.000000e+00 : f32
    %swap3A_84 = arith.constant 21 : i32
    %swap3A_85 = arith.index_cast %swap3A_84 : i32 to index
    %swap3A_86 = memref.load %arg4[%swap3A_85] : memref<64xf32, #tpu.memory_space<smem>>
    memref.store %swap3A_83, %arg4[%swap3A_85] : memref<64xf32, #tpu.memory_space<smem>>
    %swap3A_87 = arith.constant 0.000000e+00 : f32
    %swap3A_88 = arith.constant 22 : i32
    %swap3A_89 = arith.index_cast %swap3A_88 : i32 to index
    %swap3A_90 = memref.load %arg4[%swap3A_89] : memref<64xf32, #tpu.memory_space<smem>>
    memref.store %swap3A_87, %arg4[%swap3A_89] : memref<64xf32, #tpu.memory_space<smem>>
    %swap3A_91 = arith.constant 0.000000e+00 : f32
    %swap3A_92 = arith.constant 23 : i32
    %swap3A_93 = arith.index_cast %swap3A_92 : i32 to index
    %swap3A_94 = memref.load %arg4[%swap3A_93] : memref<64xf32, #tpu.memory_space<smem>>
    memref.store %swap3A_91, %arg4[%swap3A_93] : memref<64xf32, #tpu.memory_space<smem>>
    %swap3A_95 = arith.constant 0.000000e+00 : f32
    %swap3A_96 = arith.constant 24 : i32
    %swap3A_97 = arith.index_cast %swap3A_96 : i32 to index
    %swap3A_98 = memref.load %arg4[%swap3A_97] : memref<64xf32, #tpu.memory_space<smem>>
    memref.store %swap3A_95, %arg4[%swap3A_97] : memref<64xf32, #tpu.memory_space<smem>>
    %swap3A_99 = arith.constant 0.000000e+00 : f32
    %swap3A_100 = arith.constant 25 : i32
    %swap3A_101 = arith.index_cast %swap3A_100 : i32 to index
    %swap3A_102 = memref.load %arg4[%swap3A_101] : memref<64xf32, #tpu.memory_space<smem>>
    memref.store %swap3A_99, %arg4[%swap3A_101] : memref<64xf32, #tpu.memory_space<smem>>
    %swap3A_103 = arith.constant 0.000000e+00 : f32
    %swap3A_104 = arith.constant 26 : i32
    %swap3A_105 = arith.index_cast %swap3A_104 : i32 to index
    %swap3A_106 = memref.load %arg4[%swap3A_105] : memref<64xf32, #tpu.memory_space<smem>>
    memref.store %swap3A_103, %arg4[%swap3A_105] : memref<64xf32, #tpu.memory_space<smem>>
    %swap3A_107 = arith.constant 0.000000e+00 : f32
    %swap3A_108 = arith.constant 27 : i32
    %swap3A_109 = arith.index_cast %swap3A_108 : i32 to index
    %swap3A_110 = memref.load %arg4[%swap3A_109] : memref<64xf32, #tpu.memory_space<smem>>
    memref.store %swap3A_107, %arg4[%swap3A_109] : memref<64xf32, #tpu.memory_space<smem>>
    %swap3A_111 = arith.constant 0.000000e+00 : f32
    %swap3A_112 = arith.constant 28 : i32
    %swap3A_113 = arith.index_cast %swap3A_112 : i32 to index
    %swap3A_114 = memref.load %arg4[%swap3A_113] : memref<64xf32, #tpu.memory_space<smem>>
    memref.store %swap3A_111, %arg4[%swap3A_113] : memref<64xf32, #tpu.memory_space<smem>>
    %swap3A_115 = arith.constant 0.000000e+00 : f32
    %swap3A_116 = arith.constant 29 : i32
    %swap3A_117 = arith.index_cast %swap3A_116 : i32 to index
    %swap3A_118 = memref.load %arg4[%swap3A_117] : memref<64xf32, #tpu.memory_space<smem>>
    memref.store %swap3A_115, %arg4[%swap3A_117] : memref<64xf32, #tpu.memory_space<smem>>
    %swap3A_119 = arith.constant 0.000000e+00 : f32
    %swap3A_120 = arith.constant 30 : i32
    %swap3A_121 = arith.index_cast %swap3A_120 : i32 to index
    %swap3A_122 = memref.load %arg4[%swap3A_121] : memref<64xf32, #tpu.memory_space<smem>>
    memref.store %swap3A_119, %arg4[%swap3A_121] : memref<64xf32, #tpu.memory_space<smem>>
    %swap3A_123 = arith.constant 0.000000e+00 : f32
    %swap3A_124 = arith.constant 31 : i32
    %swap3A_125 = arith.index_cast %swap3A_124 : i32 to index
    %swap3A_126 = memref.load %arg4[%swap3A_125] : memref<64xf32, #tpu.memory_space<smem>>
    memref.store %swap3A_123, %arg4[%swap3A_125] : memref<64xf32, #tpu.memory_space<smem>>
    %swap3A_127 = arith.constant 0.000000e+00 : f32
    %swap3A_128 = arith.constant 32 : i32
    %swap3A_129 = arith.index_cast %swap3A_128 : i32 to index
    %swap3A_130 = memref.load %arg4[%swap3A_129] : memref<64xf32, #tpu.memory_space<smem>>
    memref.store %swap3A_127, %arg4[%swap3A_129] : memref<64xf32, #tpu.memory_space<smem>>
    %swap3A_131 = arith.constant 0.000000e+00 : f32
    %swap3A_132 = arith.constant 33 : i32
    %swap3A_133 = arith.index_cast %swap3A_132 : i32 to index
    %swap3A_134 = memref.load %arg4[%swap3A_133] : memref<64xf32, #tpu.memory_space<smem>>
    memref.store %swap3A_131, %arg4[%swap3A_133] : memref<64xf32, #tpu.memory_space<smem>>
    %swap3A_135 = arith.constant 0.000000e+00 : f32
    %swap3A_136 = arith.constant 34 : i32
    %swap3A_137 = arith.index_cast %swap3A_136 : i32 to index
    %swap3A_138 = memref.load %arg4[%swap3A_137] : memref<64xf32, #tpu.memory_space<smem>>
    memref.store %swap3A_135, %arg4[%swap3A_137] : memref<64xf32, #tpu.memory_space<smem>>
    %swap3A_139 = arith.constant 0.000000e+00 : f32
    %swap3A_140 = arith.constant 35 : i32
    %swap3A_141 = arith.index_cast %swap3A_140 : i32 to index
    %swap3A_142 = memref.load %arg4[%swap3A_141] : memref<64xf32, #tpu.memory_space<smem>>
    memref.store %swap3A_139, %arg4[%swap3A_141] : memref<64xf32, #tpu.memory_space<smem>>
    %swap3A_143 = arith.constant 0.000000e+00 : f32
    %swap3A_144 = arith.constant 36 : i32
    %swap3A_145 = arith.index_cast %swap3A_144 : i32 to index
    %swap3A_146 = memref.load %arg4[%swap3A_145] : memref<64xf32, #tpu.memory_space<smem>>
    memref.store %swap3A_143, %arg4[%swap3A_145] : memref<64xf32, #tpu.memory_space<smem>>
    %swap3A_147 = arith.constant 0.000000e+00 : f32
    %swap3A_148 = arith.constant 37 : i32
    %swap3A_149 = arith.index_cast %swap3A_148 : i32 to index
    %swap3A_150 = memref.load %arg4[%swap3A_149] : memref<64xf32, #tpu.memory_space<smem>>
    memref.store %swap3A_147, %arg4[%swap3A_149] : memref<64xf32, #tpu.memory_space<smem>>
    %swap3A_151 = arith.constant 0.000000e+00 : f32
    %swap3A_152 = arith.constant 38 : i32
    %swap3A_153 = arith.index_cast %swap3A_152 : i32 to index
    %swap3A_154 = memref.load %arg4[%swap3A_153] : memref<64xf32, #tpu.memory_space<smem>>
    memref.store %swap3A_151, %arg4[%swap3A_153] : memref<64xf32, #tpu.memory_space<smem>>
    %swap3A_155 = arith.constant 0.000000e+00 : f32
    %swap3A_156 = arith.constant 39 : i32
    %swap3A_157 = arith.index_cast %swap3A_156 : i32 to index
    %swap3A_158 = memref.load %arg4[%swap3A_157] : memref<64xf32, #tpu.memory_space<smem>>
    memref.store %swap3A_155, %arg4[%swap3A_157] : memref<64xf32, #tpu.memory_space<smem>>
    %swap3A_159 = arith.constant 0.000000e+00 : f32
    %swap3A_160 = arith.constant 40 : i32
    %swap3A_161 = arith.index_cast %swap3A_160 : i32 to index
    %swap3A_162 = memref.load %arg4[%swap3A_161] : memref<64xf32, #tpu.memory_space<smem>>
    memref.store %swap3A_159, %arg4[%swap3A_161] : memref<64xf32, #tpu.memory_space<smem>>
    %swap3A_163 = arith.constant 0.000000e+00 : f32
    %swap3A_164 = arith.constant 41 : i32
    %swap3A_165 = arith.index_cast %swap3A_164 : i32 to index
    %swap3A_166 = memref.load %arg4[%swap3A_165] : memref<64xf32, #tpu.memory_space<smem>>
    memref.store %swap3A_163, %arg4[%swap3A_165] : memref<64xf32, #tpu.memory_space<smem>>
    %swap3A_167 = arith.constant 0.000000e+00 : f32
    %swap3A_168 = arith.constant 42 : i32
    %swap3A_169 = arith.index_cast %swap3A_168 : i32 to index
    %swap3A_170 = memref.load %arg4[%swap3A_169] : memref<64xf32, #tpu.memory_space<smem>>
    memref.store %swap3A_167, %arg4[%swap3A_169] : memref<64xf32, #tpu.memory_space<smem>>
    %swap3A_171 = arith.constant 0.000000e+00 : f32
    %swap3A_172 = arith.constant 43 : i32
    %swap3A_173 = arith.index_cast %swap3A_172 : i32 to index
    %swap3A_174 = memref.load %arg4[%swap3A_173] : memref<64xf32, #tpu.memory_space<smem>>
    memref.store %swap3A_171, %arg4[%swap3A_173] : memref<64xf32, #tpu.memory_space<smem>>
    %swap3A_175 = arith.constant 0.000000e+00 : f32
    %swap3A_176 = arith.constant 44 : i32
    %swap3A_177 = arith.index_cast %swap3A_176 : i32 to index
    %swap3A_178 = memref.load %arg4[%swap3A_177] : memref<64xf32, #tpu.memory_space<smem>>
    memref.store %swap3A_175, %arg4[%swap3A_177] : memref<64xf32, #tpu.memory_space<smem>>
    %swap3A_179 = arith.constant 0.000000e+00 : f32
    %swap3A_180 = arith.constant 45 : i32
    %swap3A_181 = arith.index_cast %swap3A_180 : i32 to index
    %swap3A_182 = memref.load %arg4[%swap3A_181] : memref<64xf32, #tpu.memory_space<smem>>
    memref.store %swap3A_179, %arg4[%swap3A_181] : memref<64xf32, #tpu.memory_space<smem>>
    %swap3A_183 = arith.constant 0.000000e+00 : f32
    %swap3A_184 = arith.constant 46 : i32
    %swap3A_185 = arith.index_cast %swap3A_184 : i32 to index
    %swap3A_186 = memref.load %arg4[%swap3A_185] : memref<64xf32, #tpu.memory_space<smem>>
    memref.store %swap3A_183, %arg4[%swap3A_185] : memref<64xf32, #tpu.memory_space<smem>>
    %swap3A_187 = arith.constant 0.000000e+00 : f32
    %swap3A_188 = arith.constant 47 : i32
    %swap3A_189 = arith.index_cast %swap3A_188 : i32 to index
    %swap3A_190 = memref.load %arg4[%swap3A_189] : memref<64xf32, #tpu.memory_space<smem>>
    memref.store %swap3A_187, %arg4[%swap3A_189] : memref<64xf32, #tpu.memory_space<smem>>
    %swap3A_191 = arith.constant 0.000000e+00 : f32
    %swap3A_192 = arith.constant 48 : i32
    %swap3A_193 = arith.index_cast %swap3A_192 : i32 to index
    %swap3A_194 = memref.load %arg4[%swap3A_193] : memref<64xf32, #tpu.memory_space<smem>>
    memref.store %swap3A_191, %arg4[%swap3A_193] : memref<64xf32, #tpu.memory_space<smem>>
    %swap3A_195 = arith.constant 0.000000e+00 : f32
    %swap3A_196 = arith.constant 49 : i32
    %swap3A_197 = arith.index_cast %swap3A_196 : i32 to index
    %swap3A_198 = memref.load %arg4[%swap3A_197] : memref<64xf32, #tpu.memory_space<smem>>
    memref.store %swap3A_195, %arg4[%swap3A_197] : memref<64xf32, #tpu.memory_space<smem>>
    %swap3A_199 = arith.constant 0.000000e+00 : f32
    %swap3A_200 = arith.constant 50 : i32
    %swap3A_201 = arith.index_cast %swap3A_200 : i32 to index
    %swap3A_202 = memref.load %arg4[%swap3A_201] : memref<64xf32, #tpu.memory_space<smem>>
    memref.store %swap3A_199, %arg4[%swap3A_201] : memref<64xf32, #tpu.memory_space<smem>>
    %swap3A_203 = arith.constant 0.000000e+00 : f32
    %swap3A_204 = arith.constant 51 : i32
    %swap3A_205 = arith.index_cast %swap3A_204 : i32 to index
    %swap3A_206 = memref.load %arg4[%swap3A_205] : memref<64xf32, #tpu.memory_space<smem>>
    memref.store %swap3A_203, %arg4[%swap3A_205] : memref<64xf32, #tpu.memory_space<smem>>
    %swap3A_207 = arith.constant 0.000000e+00 : f32
    %swap3A_208 = arith.constant 52 : i32
    %swap3A_209 = arith.index_cast %swap3A_208 : i32 to index
    %swap3A_210 = memref.load %arg4[%swap3A_209] : memref<64xf32, #tpu.memory_space<smem>>
    memref.store %swap3A_207, %arg4[%swap3A_209] : memref<64xf32, #tpu.memory_space<smem>>
    %swap3A_211 = arith.constant 0.000000e+00 : f32
    %swap3A_212 = arith.constant 53 : i32
    %swap3A_213 = arith.index_cast %swap3A_212 : i32 to index
    %swap3A_214 = memref.load %arg4[%swap3A_213] : memref<64xf32, #tpu.memory_space<smem>>
    memref.store %swap3A_211, %arg4[%swap3A_213] : memref<64xf32, #tpu.memory_space<smem>>
    %swap3A_215 = arith.constant 0.000000e+00 : f32
    %swap3A_216 = arith.constant 54 : i32
    %swap3A_217 = arith.index_cast %swap3A_216 : i32 to index
    %swap3A_218 = memref.load %arg4[%swap3A_217] : memref<64xf32, #tpu.memory_space<smem>>
    memref.store %swap3A_215, %arg4[%swap3A_217] : memref<64xf32, #tpu.memory_space<smem>>
    %swap3A_219 = arith.constant 0.000000e+00 : f32
    %swap3A_220 = arith.constant 55 : i32
    %swap3A_221 = arith.index_cast %swap3A_220 : i32 to index
    %swap3A_222 = memref.load %arg4[%swap3A_221] : memref<64xf32, #tpu.memory_space<smem>>
    memref.store %swap3A_219, %arg4[%swap3A_221] : memref<64xf32, #tpu.memory_space<smem>>
    %swap3A_223 = arith.constant 0.000000e+00 : f32
    %swap3A_224 = arith.constant 56 : i32
    %swap3A_225 = arith.index_cast %swap3A_224 : i32 to index
    %swap3A_226 = memref.load %arg4[%swap3A_225] : memref<64xf32, #tpu.memory_space<smem>>
    memref.store %swap3A_223, %arg4[%swap3A_225] : memref<64xf32, #tpu.memory_space<smem>>
    %swap3A_227 = arith.constant 0.000000e+00 : f32
    %swap3A_228 = arith.constant 57 : i32
    %swap3A_229 = arith.index_cast %swap3A_228 : i32 to index
    %swap3A_230 = memref.load %arg4[%swap3A_229] : memref<64xf32, #tpu.memory_space<smem>>
    memref.store %swap3A_227, %arg4[%swap3A_229] : memref<64xf32, #tpu.memory_space<smem>>
    %swap3A_231 = arith.constant 0.000000e+00 : f32
    %swap3A_232 = arith.constant 58 : i32
    %swap3A_233 = arith.index_cast %swap3A_232 : i32 to index
    %swap3A_234 = memref.load %arg4[%swap3A_233] : memref<64xf32, #tpu.memory_space<smem>>
    memref.store %swap3A_231, %arg4[%swap3A_233] : memref<64xf32, #tpu.memory_space<smem>>
    %swap3A_235 = arith.constant 0.000000e+00 : f32
    %swap3A_236 = arith.constant 59 : i32
    %swap3A_237 = arith.index_cast %swap3A_236 : i32 to index
    %swap3A_238 = memref.load %arg4[%swap3A_237] : memref<64xf32, #tpu.memory_space<smem>>
    memref.store %swap3A_235, %arg4[%swap3A_237] : memref<64xf32, #tpu.memory_space<smem>>
    %swap3A_239 = arith.constant 0.000000e+00 : f32
    %swap3A_240 = arith.constant 60 : i32
    %swap3A_241 = arith.index_cast %swap3A_240 : i32 to index
    %swap3A_242 = memref.load %arg4[%swap3A_241] : memref<64xf32, #tpu.memory_space<smem>>
    memref.store %swap3A_239, %arg4[%swap3A_241] : memref<64xf32, #tpu.memory_space<smem>>
    %swap3A_243 = arith.constant 0.000000e+00 : f32
    %swap3A_244 = arith.constant 61 : i32
    %swap3A_245 = arith.index_cast %swap3A_244 : i32 to index
    %swap3A_246 = memref.load %arg4[%swap3A_245] : memref<64xf32, #tpu.memory_space<smem>>
    memref.store %swap3A_243, %arg4[%swap3A_245] : memref<64xf32, #tpu.memory_space<smem>>
    %swap3A_247 = arith.constant 0.000000e+00 : f32
    %swap3A_248 = arith.constant 62 : i32
    %swap3A_249 = arith.index_cast %swap3A_248 : i32 to index
    %swap3A_250 = memref.load %arg4[%swap3A_249] : memref<64xf32, #tpu.memory_space<smem>>
    memref.store %swap3A_247, %arg4[%swap3A_249] : memref<64xf32, #tpu.memory_space<smem>>
    %swap3A_251 = arith.constant 0.000000e+00 : f32
    %swap3A_252 = arith.constant 63 : i32
    %swap3A_253 = arith.index_cast %swap3A_252 : i32 to index
    %swap3A_254 = memref.load %arg4[%swap3A_253] : memref<64xf32, #tpu.memory_space<smem>>
    memref.store %swap3A_251, %arg4[%swap3A_253] : memref<64xf32, #tpu.memory_space<smem>>
    tpu.wait_dma2 semaphore(%arg5 : memref<!tpu.dma_semaphore, #tpu.memory_space<semaphore_mem>>) src(%arg1 : memref<2xi32, #tpu.memory_space<hbm>>) dst(%arg3 : memref<2xi32, #tpu.memory_space<smem>>)
    %get3A = arith.constant 0 : i32
    %get3A_255 = arith.index_cast %get3A : i32 to index
    %get3A_256 = memref.load %arg3[%get3A_255] : memref<2xi32, #tpu.memory_space<smem>>
    %mul3A = arith.constant 8 : i32
    %mul3A_257 = arith.muli %get3A_256, %mul3A : i32
    %get3A_258 = arith.constant 1 : i32
    %get3A_259 = arith.index_cast %get3A_258 : i32 to index
    %get3A_260 = memref.load %arg3[%get3A_259] : memref<2xi32, #tpu.memory_space<smem>>
    %add3A = arith.addi %mul3A_257, %get3A_260 : i32
    %rem3A = arith.constant 64 : i32
    %rem3A_261 = arith.remsi %add3A, %rem3A : i32
    %add3A_262 = arith.constant 0 : i32
    %add3A_263 = arith.addi %rem3A_261, %add3A_262 : i32
    %rem3A_264 = arith.constant 64 : i32
    %rem3A_265 = arith.remsi %add3A_263, %rem3A_264 : i32
    %swap3A_266 = arith.constant 1.250000e-01 : f32
    %swap3A_267 = arith.index_cast %rem3A_265 : i32 to index
    %swap3A_268 = memref.load %arg4[%swap3A_267] : memref<64xf32, #tpu.memory_space<smem>>
    memref.store %swap3A_266, %arg4[%swap3A_267] : memref<64xf32, #tpu.memory_space<smem>>
    %add3A_269 = arith.constant 1 : i32
    %add3A_270 = arith.addi %rem3A_261, %add3A_269 : i32
    %rem3A_271 = arith.constant 64 : i32
    %rem3A_272 = arith.remsi %add3A_270, %rem3A_271 : i32
    %swap3A_273 = arith.constant 1.250000e-01 : f32
    %swap3A_274 = arith.index_cast %rem3A_272 : i32 to index
    %swap3A_275 = memref.load %arg4[%swap3A_274] : memref<64xf32, #tpu.memory_space<smem>>
    memref.store %swap3A_273, %arg4[%swap3A_274] : memref<64xf32, #tpu.memory_space<smem>>
    %add3A_276 = arith.constant 2 : i32
    %add3A_277 = arith.addi %rem3A_261, %add3A_276 : i32
    %rem3A_278 = arith.constant 64 : i32
    %rem3A_279 = arith.remsi %add3A_277, %rem3A_278 : i32
    %swap3A_280 = arith.constant 1.250000e-01 : f32
    %swap3A_281 = arith.index_cast %rem3A_279 : i32 to index
    %swap3A_282 = memref.load %arg4[%swap3A_281] : memref<64xf32, #tpu.memory_space<smem>>
    memref.store %swap3A_280, %arg4[%swap3A_281] : memref<64xf32, #tpu.memory_space<smem>>
    %add3A_283 = arith.constant 3 : i32
    %add3A_284 = arith.addi %rem3A_261, %add3A_283 : i32
    %rem3A_285 = arith.constant 64 : i32
    %rem3A_286 = arith.remsi %add3A_284, %rem3A_285 : i32
    %swap3A_287 = arith.constant 1.250000e-01 : f32
    %swap3A_288 = arith.index_cast %rem3A_286 : i32 to index
    %swap3A_289 = memref.load %arg4[%swap3A_288] : memref<64xf32, #tpu.memory_space<smem>>
    memref.store %swap3A_287, %arg4[%swap3A_288] : memref<64xf32, #tpu.memory_space<smem>>
    %add3A_290 = arith.constant 4 : i32
    %add3A_291 = arith.addi %rem3A_261, %add3A_290 : i32
    %rem3A_292 = arith.constant 64 : i32
    %rem3A_293 = arith.remsi %add3A_291, %rem3A_292 : i32
    %swap3A_294 = arith.constant 1.250000e-01 : f32
    %swap3A_295 = arith.index_cast %rem3A_293 : i32 to index
    %swap3A_296 = memref.load %arg4[%swap3A_295] : memref<64xf32, #tpu.memory_space<smem>>
    memref.store %swap3A_294, %arg4[%swap3A_295] : memref<64xf32, #tpu.memory_space<smem>>
    %add3A_297 = arith.constant 5 : i32
    %add3A_298 = arith.addi %rem3A_261, %add3A_297 : i32
    %rem3A_299 = arith.constant 64 : i32
    %rem3A_300 = arith.remsi %add3A_298, %rem3A_299 : i32
    %swap3A_301 = arith.constant 1.250000e-01 : f32
    %swap3A_302 = arith.index_cast %rem3A_300 : i32 to index
    %swap3A_303 = memref.load %arg4[%swap3A_302] : memref<64xf32, #tpu.memory_space<smem>>
    memref.store %swap3A_301, %arg4[%swap3A_302] : memref<64xf32, #tpu.memory_space<smem>>
    %add3A_304 = arith.constant 6 : i32
    %add3A_305 = arith.addi %rem3A_261, %add3A_304 : i32
    %rem3A_306 = arith.constant 64 : i32
    %rem3A_307 = arith.remsi %add3A_305, %rem3A_306 : i32
    %swap3A_308 = arith.constant 1.250000e-01 : f32
    %swap3A_309 = arith.index_cast %rem3A_307 : i32 to index
    %swap3A_310 = memref.load %arg4[%swap3A_309] : memref<64xf32, #tpu.memory_space<smem>>
    memref.store %swap3A_308, %arg4[%swap3A_309] : memref<64xf32, #tpu.memory_space<smem>>
    %add3A_311 = arith.constant 7 : i32
    %add3A_312 = arith.addi %rem3A_261, %add3A_311 : i32
    %rem3A_313 = arith.constant 64 : i32
    %rem3A_314 = arith.remsi %add3A_312, %rem3A_313 : i32
    %swap3A_315 = arith.constant 1.250000e-01 : f32
    %swap3A_316 = arith.index_cast %rem3A_314 : i32 to index
    %swap3A_317 = memref.load %arg4[%swap3A_316] : memref<64xf32, #tpu.memory_space<smem>>
    memref.store %swap3A_315, %arg4[%swap3A_316] : memref<64xf32, #tpu.memory_space<smem>>
    "tpu.region"() ({
      %run_scoped3A = tpu.sem_alloc : memref<!tpu.dma_semaphore, #tpu.memory_space<semaphore_mem>>
      tpu.enqueue_dma source(%arg4 : memref<64xf32, #tpu.memory_space<smem>>) target(%arg2 : memref<64xf32, #tpu.memory_space<hbm>>) target_semaphore(%run_scoped3A : memref<!tpu.dma_semaphore, #tpu.memory_space<semaphore_mem>>)
      tpu.wait_dma2 semaphore(%run_scoped3A : memref<!tpu.dma_semaphore, #tpu.memory_space<semaphore_mem>>) src(%arg4 : memref<64xf32, #tpu.memory_space<smem>>) dst(%arg2 : memref<64xf32, #tpu.memory_space<hbm>>)
      tpu.yield
    }) : () -> ()
    return
  }
}

</mosaic_0001>

<sc_bundles>
// kernel: kernel.3.cloned.1.call-start
scs
__scs_entry_jumppad:
0x0: {  	(pc) =	sbr.rel $0x88, $3  }
0x1: {  	(tag) =	ssettag $0x0;
	lr =	simm.s32 $0x1  }
0x2: {  	[smem:$0x3FA0] =	sst lr;
	_ =	strace $0xD0000000  }
0x3: {  	_ = 	snop  }
0x4: {  	_ = 	snop  }
0x5: {  	_ = 	snop  }
0x6: {  	_ = 	snop  }
0x7: {  	_ = 	snop  }
__scs_overlays_trampoline_lowered:
0x8: {  	[smem:$0x3FAF] =	sst s0  }
0x9: {  	[smem:$0x3FB0] =	sst s1  }
0xa: {  	[smem:$0x3FB1] =	sst s2  }
0xb: {  	[smem:$0x3FB2] =	sst s3  }
0xc: {  	[smem:$0x3FB3] =	sst s4  }
0xd: {  	[smem:$0x3FB4] =	sst s5  }
0xe: {  	[smem:$0x3FB5] =	sst s6  }
0xf: {  	[smem:$0x3FB6] =	sst s7  }
0x10: {  	[smem:$0x3FB7] =	sst s8  }
0x11: {  	[smem:$0x3FB8] =	sst s9;
	s0 =	simm.s32 @!p0 $0x0  }
0x12: {  	s1 =	sld [smem:$0x3F9E];
	s0 =	simm.s32 @p0 $0x1  }
0x13: {  	[smem:$0x3FB9] =	sst s0;
	s0 =	simm.s32 @!p1 $0x0  }
0x14: {  	s2 =	sld [smem:$0x3F9D];
	s0 =	simm.s32 @p1 $0x1  }
0x15: {  	[smem:$0x3FBA] =	sst s0;
	s0 =	simm.s32 @!p2 $0x0  }
0x16: {  	s3 =	sld [smem:$0x3FDB];
	s0 =	simm.s32 @p2 $0x1  }
0x17: {  	s4 =	simm.s32 $0x1BF5;
	[smem:$0x3FBC] =	sst s0  }
0x18: {  	s0 =	sld [smem:$0x3F9F];
	_ =	swait.ge [sflag:s4], $0x0  }
0x19: {  	s7 =	sld [smem:$0x3FA0]  }
0x1a: {  	s8 =	sadd.s32 $0xFFFFE003, lr  }
0x1b: {  	s9 =	sadd.s32 $0xFFFFFEF7, lr;
	s5 =	simm.s32 $0xFFFFFFFF;
	p2 =	slt.u32 s8, $0xFFFFF086  }
0x1c: {  	p1 =	slt.u32 s9, $0xF7A;
	s5 =	simm.s32 @!p2 $0x0  }
0x1d: {  	s5 =	simm.s32 @p1 $0x1;
	p0 =	seq.s32 s7, s2  }
0x1e: {  	s7 =	smul.u32 @!p0 $0xF7A, s2;
	p2 =	seq.s32 @!p0 s5, $0x0  }
0x1f: {  	s9 =	smul.u32 $0xF7A, s1;
	s8 =	simm.s32 @!p0 $0x1BF5;
	p2 =	por !p2, p0  }
0x20: {  	[sflag:s8] =	ssyncset.s32 @!p0 $0xFFFFF086;
	s6 =	sadd.s32 @!p0 s3, s7;
	s7 =	simm.s32 @!p0 $0x108  }
0x21: {  	s3 =	sadd.s32 s3, s9;
	s6 =	sadd.s32 @!p0 $0x88, s6;
	s7 =	simm.s32 @p2 $0x1082  }
0x22: {  	[simem:s7], [sflag:s8] =	dma.local @!p0 [hbm:s6], $0xF7A  }
0x23: {  	s9 =	sor.u32 $0xD0000000, s2;
	s6 =	simm.s32 $0x108;
	_ =	swait.ge @!p0 [sflag:s8], $0x0  }
0x24: {  	s3 =	sadd.s32 $0x88, s3;
	s6 =	simm.s32 @!p1 $0x1082;
	[sflag:s4] =	ssyncset.s32 $0xFFFFF086  }
0x25: {  	[simem:s6], [sflag:s4] =	dma.local [hbm:s3], $0xF7A  }
0x26: {  	[smem:$0x3FA0] =	sst s1;
	(tag) =	ssettag s2;
	_ =	strace s9  }
0x27: {  	s1 =	sld [smem:$0x3FB0]  }
0x28: {  	s2 =	sld [smem:$0x3FB1]  }
0x29: {  	s4 =	sld [smem:$0x3FB3]  }
0x2a: {  	p0 =	seq.s32 s5, $0x0;
	s5 =	sld [smem:$0x3FB4]  }
0x2b: {  	s6 =	sld [smem:$0x3FB5]  }
0x2c: {  	s7 =	sld [smem:$0x3FB6]  }
0x2d: {  	s3 =	simm.s32 $0x108;
	s8 =	sld [smem:$0x3FB7]  }
0x2e: {  	s3 =	simm.s32 @!p0 $0x1082;
	s9 =	sld [smem:$0x3FB8]  }
0x2f: {  	lr =	sadd.s32 s0, s3;
	s0 =	sld [smem:$0x3FAF]  }
0x30: {  	s3 =	sld [smem:$0x3FB2]  }
0x31: {  	[smem:$0x3FBB] =	sst s10  }
0x32: {  	s10 =	sld [smem:$0x3FB9];
	_ =	sdelay $0x3  }
0x33: {  	p0 =	seq.s32 s10, $0x1;
	s10 =	sld [smem:$0x3FBB];
	_ =	sdelay $0x3  }
0x34: {  	[smem:$0x3FBB] =	sst s10  }
0x35: {  	s10 =	sld [smem:$0x3FBA];
	_ =	sdelay $0x3  }
0x36: {  	p1 =	seq.s32 s10, $0x1;
	s10 =	sld [smem:$0x3FBB];
	_ =	sdelay $0x3  }
0x37: {  	[smem:$0x3FBB] =	sst s10  }
0x38: {  	s10 =	sld [smem:$0x3FBC]  }
0x39: {  	_ = 	snop;
	(pc) =	sbr.ind lr, $3  }
0x3a: {  	_ = 	snop  }
0x3b: {  	_ = 	snop  }
0x3c: {  	p2 =	seq.s32 s10, $0x1;
	s10 =	sld [smem:$0x3FBB]  }
0x3d: {  	_ =	shalt  }
0x3e: {  	_ =	shalt  }
0x3f: {  	_ =	shalt  }
0x40: {  	_ =	shalt  }
0x41: {  	_ =	shalt  }
0x42: {  	_ =	shalt  }
0x43: {  	_ =	shalt  }
0x44: {  	_ =	shalt  }
0x45: {  	_ =	shalt  }
0x46: {  	_ =	shalt  }
0x47: {  	_ =	shalt  }
0x48: {  	_ =	shalt  }
0x49: {  	_ =	shalt  }
0x4a: {  	_ =	shalt  }
0x4b: {  	_ =	shalt  }
0x4c: {  	_ =	shalt  }
0x4d: {  	_ =	shalt  }
0x4e: {  	_ =	shalt  }
0x4f: {  	_ =	shalt  }
0x50: {  	_ =	shalt  }
0x51: {  	_ =	shalt  }
0x52: {  	_ =	shalt  }
0x53: {  	_ =	shalt  }
0x54: {  	_ =	shalt  }
0x55: {  	_ =	shalt  }
0x56: {  	_ =	shalt  }
0x57: {  	_ =	shalt  }
0x58: {  	_ =	shalt  }
0x59: {  	_ =	shalt  }
0x5a: {  	_ =	shalt  }
0x5b: {  	_ =	shalt  }
0x5c: {  	_ =	shalt  }
0x5d: {  	_ =	shalt  }
0x5e: {  	_ =	shalt  }
0x5f: {  	_ =	shalt  }
0x60: {  	_ =	shalt  }
0x61: {  	_ =	shalt  }
0x62: {  	_ =	shalt  }
0x63: {  	_ =	shalt  }
0x64: {  	_ =	shalt  }
0x65: {  	_ =	shalt  }
0x66: {  	_ =	shalt  }
0x67: {  	_ =	shalt  }
0x68: {  	_ =	shalt  }
0x69: {  	_ =	shalt  }
0x6a: {  	_ =	shalt  }
0x6b: {  	_ =	shalt  }
0x6c: {  	_ =	shalt  }
0x6d: {  	_ =	shalt  }
0x6e: {  	_ =	shalt  }
0x6f: {  	_ =	shalt  }
0x70: {  	_ =	shalt  }
0x71: {  	_ =	shalt  }
0x72: {  	_ =	shalt  }
0x73: {  	_ =	shalt  }
0x74: {  	_ =	shalt  }
0x75: {  	_ =	shalt  }
0x76: {  	_ =	shalt  }
0x77: {  	_ =	shalt  }
0x78: {  	_ =	shalt  }
0x79: {  	_ =	shalt  }
0x7a: {  	_ =	shalt  }
0x7b: {  	_ =	shalt  }
0x7c: {  	_ =	shalt  }
0x7d: {  	_ =	shalt  }
0x7e: {  	_ =	shalt  }
0x7f: {  	_ =	shalt  }
0x80: {  	_ =	shalt  }
0x81: {  	_ =	shalt  }
0x82: {  	_ =	shalt  }
0x83: {  	_ =	shalt  }
0x84: {  	_ =	shalt  }
0x85: {  	_ =	shalt  }
0x86: {  	_ =	shalt  }
0x87: {  	_ =	shalt  }
.Lfunc_end0:
.L_simem_size_0:
called_computation_lowered:
.L_overlay_start_0:
0x88: {  	s0 =	sld [smem:$0x3FD9]  }
0x89: {  	s1 =	sld [smem:$0x3FFE];
	_ =	sdelay $0x3  }
0x8a: {  	s0 =	sadd.s32 s1, s0  }
0x8b: {  	[smem:$0x3FC7] =	sst s0  }
0x8c: {  	_ = 	snop  }
0x8d: {  	s0 =	sld [smem:$0x3FD0];
	_ =	sdelay $0x2  }
0x8e: {  	s5 =	simm.s32 $0xB;
	s3 =	simm.s32 $0x110;
	s2 =	sld [smem:$0x3FC9]  }
0x8f: {  	[smem:s3], [sflag:s5] =	dma.local [hbm:s0], $0x1  }
0x90: {  	_ =	swait.eq [sflag:s5], $0x1  }
0x91: {  	[sflag:s5] =	ssyncset.done $0x0  }
0x92: {  	[sflag:s5] =	ssyncadd.s32 $0xFFFFFFFF  }
0x93: {  	s6 =	sld [smem:$0x110];
	(tm) =	ssettm $0x1  }
0x94: {  	s7 =	sld [smem:$0x3FFB];
	_ =	sdelay $0x3  }
0x95: {  	_ =	strace s7  }
0x96: {  	s1 =	sld [smem:$0x3FFC];
	_ =	sdelay $0x3  }
0x97: {  	_ =	strace s1  }
0x98: {  	s1 =	sld [smem:$0x3FFD];
	_ =	sdelay $0x3  }
0x99: {  	_ =	strace s1  }
0x9a: {  	s8 =	simm.s32 $0x1B8B;
	_ =	strace $0x8FFFFFFF  }
0x9b: {  	_ =	swait.ge [sflag:s8], $0x1  }
0x9c: {  	[sflag:s8] =	ssyncset.done $0x0  }
0x9d: {  	s9 =	simm.s32 $0x1B8E;
	[sflag:s8] =	ssyncadd.s32 $0xFFFFFFFF  }
0x9e: {  	s10 =	simm.s32 $0x9;
	[smem:$0x3FD2] =	sst s9  }
0x9f: {  	s11 =	simm.s32 $0x10;
	s12 =	simm.s32 $0x0;
	_ =	strace $0x80000046  }
0xa0: {  	[smem:s11], [sflag:s10] =	dma.local [hbm:s2], $0x10  }
0xa1: {  	[smem:$0x90] =	sst s12  }
0xa2: {  	[smem:$0x91] =	sst s12  }
0xa3: {  	[smem:$0x92] =	sst s12  }
0xa4: {  	[smem:$0x93] =	sst s12  }
0xa5: {  	[smem:$0x94] =	sst s12  }
0xa6: {  	[smem:$0x95] =	sst s12  }
0xa7: {  	[smem:$0x96] =	sst s12  }
0xa8: {  	[smem:$0x97] =	sst s12  }
0xa9: {  	[smem:$0x98] =	sst s12  }
0xaa: {  	[smem:$0x99] =	sst s12  }
0xab: {  	[smem:$0x9A] =	sst s12  }
0xac: {  	[smem:$0x9B] =	sst s12  }
0xad: {  	[smem:$0x9C] =	sst s12  }
0xae: {  	[smem:$0x9D] =	sst s12  }
0xaf: {  	[smem:$0x9E] =	sst s12  }
0xb0: {  	[smem:$0x9F] =	sst s12  }
0xb1: {  	[smem:$0xA0] =	sst s12  }
0xb2: {  	[smem:$0xA1] =	sst s12  }
0xb3: {  	[smem:$0xA2] =	sst s12  }
0xb4: {  	[smem:$0xA3] =	sst s12  }
0xb5: {  	[smem:$0xA4] =	sst s12  }
0xb6: {  	[smem:$0xA5] =	sst s12  }
0xb7: {  	[smem:$0xA6] =	sst s12  }
0xb8: {  	[smem:$0xA7] =	sst s12  }
0xb9: {  	[smem:$0xA8] =	sst s12  }
0xba: {  	[smem:$0xA9] =	sst s12  }
0xbb: {  	[smem:$0xAA] =	sst s12  }
0xbc: {  	[smem:$0xAB] =	sst s12  }
0xbd: {  	[smem:$0xAC] =	sst s12  }
0xbe: {  	[smem:$0xAD] =	sst s12  }
0xbf: {  	[smem:$0xAE] =	sst s12  }
0xc0: {  	[smem:$0xAF] =	sst s12  }
0xc1: {  	[smem:$0xB0] =	sst s12  }
0xc2: {  	[smem:$0xB1] =	sst s12  }
0xc3: {  	[smem:$0xB2] =	sst s12  }
0xc4: {  	[smem:$0xB3] =	sst s12  }
0xc5: {  	[smem:$0xB4] =	sst s12  }
0xc6: {  	[smem:$0xB5] =	sst s12  }
0xc7: {  	[smem:$0xB6] =	sst s12  }
0xc8: {  	[smem:$0xB7] =	sst s12  }
0xc9: {  	[smem:$0xB8] =	sst s12  }
0xca: {  	[smem:$0xB9] =	sst s12  }
0xcb: {  	[smem:$0xBA] =	sst s12  }
0xcc: {  	[smem:$0xBB] =	sst s12  }
0xcd: {  	[smem:$0xBC] =	sst s12  }
0xce: {  	[smem:$0xBD] =	sst s12  }
0xcf: {  	[smem:$0xBE] =	sst s12  }
0xd0: {  	[smem:$0xBF] =	sst s12  }
0xd1: {  	[smem:$0xC0] =	sst s12  }
0xd2: {  	[smem:$0xC1] =	sst s12  }
0xd3: {  	[smem:$0xC2] =	sst s12  }
0xd4: {  	[smem:$0xC3] =	sst s12  }
0xd5: {  	[smem:$0xC4] =	sst s12  }
0xd6: {  	[smem:$0xC5] =	sst s12  }
0xd7: {  	[smem:$0xC6] =	sst s12  }
0xd8: {  	[smem:$0xC7] =	sst s12  }
0xd9: {  	[smem:$0xC8] =	sst s12  }
0xda: {  	[smem:$0xC9] =	sst s12  }
0xdb: {  	[smem:$0xCA] =	sst s12  }
0xdc: {  	[smem:$0xCB] =	sst s12  }
0xdd: {  	[smem:$0xCC] =	sst s12  }
0xde: {  	[smem:$0xCD] =	sst s12  }
0xdf: {  	[smem:$0xCE] =	sst s12  }
0xe0: {  	[smem:$0xCF] =	sst s12  }
0xe1: {  	_ =	swait.ge [sflag:s10], $0x10  }
0xe2: {  	[sflag:s10] =	ssyncset.done $0x0  }
0xe3: {  	[sflag:s10] =	ssyncadd.s32 $0xFFFFFFF0  }
0xe4: {  	s1 =	sld [smem:$0x10]  }
0xe5: {  	s13 =	sld [smem:$0x11];
	_ =	sdelay $0x2  }
0xe6: {  	s1 =	sshll.u32 s1, $0x3  }
0xe7: {  	s1 =	sadd.s32 s13, s1  }
0xe8: {  	s2 =	sshra.s32 s1, $0x1F  }
0xe9: {  	s2 =	sshrl.u32 s2, $0x1A  }
0xea: {  	s2 =	sadd.s32 s2, s1  }
0xeb: {  	s2 =	sand.u32 $0xFFFFFFC0, s2  }
0xec: {  	s1 =	ssub.s32 s1, s2  }
0xed: {  	s14 =	simm.s32 $0x3E000000;
	s15 =	sadd.s32 $0x1, s1  }
0xee: {  	[smem:s1+$0x90] =	sst s14;
	s4 =	sadd.s32 $0x2, s1;
	s3 =	sand.u32 $0x3F, s15  }
0xef: {  	s17 =	sadd.s32 $0x3, s1;
	s16 =	sand.u32 $0x3F, s4;
	[smem:s3+$0x90] =	sst s14  }
0xf0: {  	s19 =	sadd.s32 $0x4, s1;
	s18 =	sand.u32 $0x3F, s17;
	[smem:s16+$0x90] =	sst s14  }
0xf1: {  	s21 =	sadd.s32 $0x5, s1;
	s20 =	sand.u32 $0x3F, s19;
	[smem:s18+$0x90] =	sst s14  }
0xf2: {  	s23 =	sadd.s32 $0x6, s1;
	s22 =	sand.u32 $0x3F, s21;
	[smem:s20+$0x90] =	sst s14  }
0xf3: {  	s1 =	sadd.s32 $0x7, s1;
	s24 =	sand.u32 $0x3F, s23;
	[smem:s22+$0x90] =	sst s14  }
0xf4: {  	s1 =	sand.u32 $0x3F, s1;
	[smem:s24+$0x90] =	sst s14  }
0xf5: {  	s25 =	simm.s32 $0x90;
	s26 =	simm.s32 $0xA;
	[smem:s1+$0x90] =	sst s14  }
0xf6: {  	[hbm:s6], [sflag:s26] =	dma.local [smem:s25], $0x10  }
0xf7: {  	_ =	swait.ge [sflag:s26], $0x10  }
0xf8: {  	[sflag:s26] =	ssyncset.done $0x0  }
0xf9: {  	[sflag:s26] =	ssyncadd.s32 $0xFFFFFFF0  }
0xfa: {  	_ =	strace $0x90000046  }
0xfb: {  	_ =	sfence  }
0xfc: {  	s28 =	sld [smem:$0x0];
	_ =	sdelay $0x1  }
0xfd: {  	s29 =	srdreg.scid  }
0xfe: {  	s30 =	sshll.u32 s29, $0xD;
	s31 =	sshrl.u32 s29, $0x2  }
0xff: {  	s2 =	sand.u32 $0x4000, s30;
	s1 =	sand.u32 $0x1, s29;
	s0 =	sadd.s32 s31, s28  }
0x100: {  	s1 =	sor.u32 s2, s1;
	s0 =	sshll.u32 s0, $0x11  }
0x101: {  	s0 =	sor.u32 s0, s1  }
0x102: {  	s0 =	sadd.s32 $0x8F2B, s0;
	(pc) =	sbr.abs _section_cstart, $3  }
0x103: {  	[sflag:s0] =	ssyncadd.remote.s32 $0x1  }
0x104: {  	_ =	strace $0x9FFFFFFF  }
0x105: {  	(tm) =	ssettm $0x7FFFFFFF  }

</sc_bundles>
